<compile_context>
chip_gen: v7x
topology: tpu7x:2x2x1
jax: 0.10.2.dev20260603
libtpu: 0.0.44.dev20260713+nightly
codegen_flags: <defaults>
</compile_context>

<pallas_src>
import functools

import jax
import jax.numpy as jnp
from jax import lax
from jax.experimental import pallas as pl
from jax.experimental.pallas import tpu as pltpu
from jax.experimental.pallas import tpu_sc as plsc



def _contract_body(basis_ref, cmat_ref, w_ref):
    w_ref[...] = jnp.dot(
        basis_ref[...], cmat_ref[...], preferred_element_type=jnp.float32
    )


def _materialize_weight(basis2, cmat, rows_per_block):
    n, de = basis2.shape
    d = cmat.shape[1]
    return pl.pallas_call(
        _contract_body,
        grid=(n // rows_per_block,),
        in_specs=[
            pl.BlockSpec((rows_per_block, de), lambda i: (i, 0)),
            pl.BlockSpec((de, d), lambda i: (0, 0)),
        ],
        out_specs=pl.BlockSpec((rows_per_block, d), lambda i: (i, 0)),
        out_shape=jax.ShapeDtypeStruct((n, d), jnp.float32),
        compiler_params=pltpu.CompilerParams(allow_input_fusion=[True, False]),
    )(basis2, cmat)



_CHUNK = 128


def _sc_gather(weight, flat_idx):
    info = plsc.get_sparse_core_info()
    nc, ns = info.num_cores, info.num_subcores
    nw = nc * ns
    b = flat_idx.shape[0]
    d = weight.shape[1]
    b_per_w = b // nw
    n_ch = b_per_w // _CHUNK

    mesh = plsc.VectorSubcoreMesh(core_axis_name="c", subcore_axis_name="s")

    @functools.partial(
        pl.kernel,
        mesh=mesh,
        out_type=jax.ShapeDtypeStruct((b, d), jnp.float32),
        scratch_types=[
            pltpu.VMEM((b_per_w,), jnp.int32),
            pltpu.VMEM((b_per_w, d), jnp.float32),
            pltpu.SemaphoreType.DMA,
        ],
        compiler_params=pltpu.CompilerParams(use_tc_tiling_on_sc=False),
    )
    def k(idx_hbm, table_hbm, out_hbm, idx_v, rows_v, sem):
        wid = lax.axis_index("s") * nc + lax.axis_index("c")
        base = wid * b_per_w
        pltpu.sync_copy(idx_hbm.at[pl.ds(base, b_per_w)], idx_v)

        def descr(c):
            off = c * _CHUNK
            return pltpu.make_async_copy(
                table_hbm.at[idx_v.at[pl.ds(off, _CHUNK)]],
                rows_v.at[pl.ds(off, _CHUNK)],
                sem,
            )

        def fire(c, _):
            descr(c).start()
            return _

        def drain(c, _):
            descr(c).wait()
            return _

        lax.fori_loop(0, n_ch, fire, None)
        lax.fori_loop(0, n_ch, drain, None)
        pltpu.sync_copy(rows_v, out_hbm.at[pl.ds(base, b_per_w)])

    return k(flat_idx, weight)


def kernel(indices, coef, basis):
    n, d, e = basis.shape
    basis2 = basis.reshape(n, d * e)
    cmat = (jnp.eye(d, dtype=coef.dtype)[:, None, :] * coef[None, :, None]).reshape(
        d * e, d
    )
    weight = _materialize_weight(basis2, cmat, rows_per_block=10000)
    flat_idx = indices.reshape(-1).astype(jnp.int32)
    out_flat = _sc_gather(weight, flat_idx)
    return out_flat.reshape(indices.shape[0], indices.shape[1], d)

# --- scband reference (transcript-rebuilt; emitter-appended) ---
"""Pipeline reference for scband-silly-embedding-54657753809086 (READ-ONLY COPY).

The authoritative reference and input builder live on the scoring server;
editing this copy changes nothing except your own understanding.
"""

import jax, jax.numpy as jnp
import numpy as np
import math

NUM_EMBEDDINGS = 100000
EMBEDDING_DIM = 32
INT_DIM = 8
SEED = 42
BATCH = 4096
HIST_LEN = 20


def setup_inputs(seed: int = 0) -> dict:
    key = jax.random.key(seed)
    k_idx, k_coef = jax.random.split(key)
    # forward arg: indices into the embedding table
    indices = jax.random.randint(k_idx, (BATCH, HIST_LEN), 0, NUM_EMBEDDINGS, dtype=jnp.int64 if jax.config.jax_enable_x64 else jnp.int32)
    # learned parameter: low-dim coefficient vector (weight_coef), initialized per init_kaiming_uniform
    fan_in = EMBEDDING_DIM  # _calculate_correct_fan on (num_embeddings, embedding_dim) weight, mode=fan_in
    gain = math.sqrt(2.0 / (1.0 + 5.0))  # calculate_gain('leaky_relu', a=sqrt(5))
    out_std = gain / math.sqrt(fan_in)
    coef_std = math.sqrt(3.0 / INT_DIM) * out_std
    bound = math.sqrt(3.0) * coef_std
    coef = jax.random.uniform(k_coef, (INT_DIM,), minval=-bound, maxval=bound, dtype=jnp.float32)
    # fixed (non-trainable) seeded random basis: the RandumbTensor materializes
    # weight = basis @ coef, where basis is deterministically generated from `seed`.
    basis = jax.random.normal(jax.random.key(SEED), (NUM_EMBEDDINGS, EMBEDDING_DIM, INT_DIM), dtype=jnp.float32)
    return {"indices": indices, "coef": coef, "basis": basis}


def reference(indices, coef, basis):
    # embed_fwd: gather the seeded random basis rows for the requested ids,
    # then contract with the small learned coefficient vector to materialize
    # the embedding rows on the fly (weight[idx] = basis[idx] @ coef).
    gathered = jnp.take(basis, indices, axis=0)  # [B, L, D, INT_DIM]
    out = jnp.einsum('blde,e->bld', gathered, coef)  # [B, L, D]
    return out

if __name__ == "__main__":
    import jax
    _d = setup_inputs()
    print(jax.jit(kernel)(*tuple(_d.values())))

</pallas_src>

<mosaic_0001>
#map = affine_map<(d0, d1) -> (0)>
#map1 = affine_map<(d0, d1) -> (0, 0)>
module attributes {stable_mosaic.version = 14 : i64} {
  func.func @k(%arg0: i32, %arg1: i32, %arg2: memref<81920xi32, #tpu.memory_space<hbm>>, %arg3: memref<100000x32xf32, #tpu.memory_space<hbm>>, %arg4: memref<81920x32xf32, #tpu.memory_space<hbm>>, %arg5: memref<2560xi32, #tpu.memory_space<vmem>>, %arg6: memref<2560x32xf32, #tpu.memory_space<vmem>>, %arg7: memref<!tpu.dma_semaphore, #tpu.memory_space<semaphore_mem>>) attributes {dimension_semantics = [#tpu.dimension_semantics<core_parallel>, #tpu.dimension_semantics<subcore_parallel>], iteration_bounds = array<i64: 2, 16>, scalar_prefetch = 0 : i64, scratch_operands = 3 : i64, tpu.core_type = #tpu.core_type<sc_vector_subcore>, window_params = [{transform_indices = #map}, {transform_indices = #map1}, {transform_indices = #map1}]} {
    %mul3A = arith.constant 2 : i32
    %mul3A_0 = arith.muli %arg1, %mul3A : i32
    %add3A = arith.addi %mul3A_0, %arg0 : i32
    %mul3A_1 = arith.constant 2560 : i32
    %mul3A_2 = arith.muli %add3A, %mul3A_1 : i32
    "tpu.region"() ({
      %run_scoped3A = tpu.sem_alloc : memref<!tpu.dma_semaphore, #tpu.memory_space<semaphore_mem>>
      %dma_start3A = tpu.memref_slice %arg2[%mul3A_2] : memref<81920xi32, #tpu.memory_space<hbm>> -> memref<2560xi32, #tpu.memory_space<hbm>>
      %dma_start3A_12 = tpu.memref_slice %arg2[%mul3A_2] : memref<81920xi32, #tpu.memory_space<hbm>> -> memref<2560xi32, #tpu.memory_space<hbm>>
      tpu.enqueue_dma source(%dma_start3A_12 : memref<2560xi32, #tpu.memory_space<hbm>>) target(%arg5 : memref<2560xi32, #tpu.memory_space<vmem>>) target_semaphore(%run_scoped3A : memref<!tpu.dma_semaphore, #tpu.memory_space<semaphore_mem>>)
      %dma_wait3A = tpu.memref_slice %arg2[%mul3A_2] : memref<81920xi32, #tpu.memory_space<hbm>> -> memref<2560xi32, #tpu.memory_space<hbm>>
      %dma_wait3A_13 = tpu.memref_slice %arg2[%mul3A_2] : memref<81920xi32, #tpu.memory_space<hbm>> -> memref<2560xi32, #tpu.memory_space<hbm>>
      tpu.wait_dma2 semaphore(%run_scoped3A : memref<!tpu.dma_semaphore, #tpu.memory_space<semaphore_mem>>) src(%dma_wait3A_13 : memref<2560xi32, #tpu.memory_space<hbm>>) dst(%arg5 : memref<2560xi32, #tpu.memory_space<vmem>>)
      tpu.yield
    }) : () -> ()
    %scan3A = arith.constant 0 : i32
    %scan3A_3 = arith.constant 20 : i32
    %scan3A_4 = arith.addi %scan3A, %scan3A_3 : i32
    %scan3A_5 = arith.constant 1 : i32
    scf.for %scan3A_12 = %scan3A to %scan3A_4 step %scan3A_5  : i32 {
      %mul3A_13 = arith.constant 128 : i32
      %mul3A_14 = arith.muli %scan3A_12, %mul3A_13 : i32
      %dma_start3A = arith.constant 0 : i32
      %dma_start3A_15 = tpu.memref_slice %arg6[%mul3A_14, %dma_start3A] : memref<2560x32xf32, #tpu.memory_space<vmem>> -> memref<128x32xf32, #tpu.memory_space<vmem>>
      %dma_start3A_16 = tpu.memref_slice %arg5[%mul3A_14] : memref<2560xi32, #tpu.memory_space<vmem>> -> memref<128xi32, #tpu.memory_space<vmem>>
      %dma_start3A_17 = arith.constant 0 : i32
      %dma_start3A_18 = arith.constant 0 : i32
      %dma_start3A_19 = tpu.memref_slice %arg3[%dma_start3A_17, %dma_start3A_18] : memref<100000x32xf32, #tpu.memory_space<hbm>> -> memref<100000x32xf32, #tpu.memory_space<hbm>>
      tpu.enqueue_indirect_dma source(%dma_start3A_19 : memref<100000x32xf32, #tpu.memory_space<hbm>>) target(%dma_start3A_15 : memref<128x32xf32, #tpu.memory_space<vmem>>) offsets(%dma_start3A_16 : memref<128xi32, #tpu.memory_space<vmem>>) semaphore(%arg7 : memref<!tpu.dma_semaphore, #tpu.memory_space<semaphore_mem>>)
    }
    %scan3A_6 = arith.constant 20 : i32
    %scan3A_7 = arith.constant 0 : i32
    %scan3A_8 = arith.constant 20 : i32
    %scan3A_9 = arith.addi %scan3A_7, %scan3A_8 : i32
    %scan3A_10 = arith.constant 1 : i32
    scf.for %scan3A_12 = %scan3A_7 to %scan3A_9 step %scan3A_10  : i32 {
      %mul3A_13 = arith.constant 128 : i32
      %mul3A_14 = arith.muli %scan3A_12, %mul3A_13 : i32
      %dma_wait3A = arith.constant 0 : i32
      %dma_wait3A_15 = tpu.memref_slice %arg6[%mul3A_14, %dma_wait3A] : memref<2560x32xf32, #tpu.memory_space<vmem>> -> memref<128x32xf32, #tpu.memory_space<vmem>>
      %dma_wait3A_16 = tpu.memref_slice %arg5[%mul3A_14] : memref<2560xi32, #tpu.memory_space<vmem>> -> memref<128xi32, #tpu.memory_space<vmem>>
      %dma_wait3A_17 = arith.constant 0 : i32
      %dma_wait3A_18 = arith.constant 0 : i32
      %dma_wait3A_19 = tpu.memref_slice %arg3[%dma_wait3A_17, %dma_wait3A_18] : memref<100000x32xf32, #tpu.memory_space<hbm>> -> memref<100000x32xf32, #tpu.memory_space<hbm>>
      tpu.wait_indirect_dma semaphore(%arg7 : memref<!tpu.dma_semaphore, #tpu.memory_space<semaphore_mem>>) src(%dma_wait3A_19 : memref<100000x32xf32, #tpu.memory_space<hbm>>) dst(%dma_wait3A_15 : memref<128x32xf32, #tpu.memory_space<vmem>>)
    }
    %scan3A_11 = arith.constant 20 : i32
    "tpu.region"() ({
      %run_scoped3A = tpu.sem_alloc : memref<!tpu.dma_semaphore, #tpu.memory_space<semaphore_mem>>
      %dma_start3A = arith.constant 0 : i32
      %dma_start3A_12 = tpu.memref_slice %arg4[%mul3A_2, %dma_start3A] : memref<81920x32xf32, #tpu.memory_space<hbm>> -> memref<2560x32xf32, #tpu.memory_space<hbm>>
      %dma_start3A_13 = arith.constant 0 : i32
      %dma_start3A_14 = tpu.memref_slice %arg4[%mul3A_2, %dma_start3A_13] : memref<81920x32xf32, #tpu.memory_space<hbm>> -> memref<2560x32xf32, #tpu.memory_space<hbm>>
      tpu.enqueue_dma source(%arg6 : memref<2560x32xf32, #tpu.memory_space<vmem>>) target(%dma_start3A_14 : memref<2560x32xf32, #tpu.memory_space<hbm>>) target_semaphore(%run_scoped3A : memref<!tpu.dma_semaphore, #tpu.memory_space<semaphore_mem>>)
      %dma_wait3A = arith.constant 0 : i32
      %dma_wait3A_15 = tpu.memref_slice %arg4[%mul3A_2, %dma_wait3A] : memref<81920x32xf32, #tpu.memory_space<hbm>> -> memref<2560x32xf32, #tpu.memory_space<hbm>>
      %dma_wait3A_16 = arith.constant 0 : i32
      %dma_wait3A_17 = tpu.memref_slice %arg4[%mul3A_2, %dma_wait3A_16] : memref<81920x32xf32, #tpu.memory_space<hbm>> -> memref<2560x32xf32, #tpu.memory_space<hbm>>
      tpu.wait_dma2 semaphore(%run_scoped3A : memref<!tpu.dma_semaphore, #tpu.memory_space<semaphore_mem>>) src(%arg6 : memref<2560x32xf32, #tpu.memory_space<vmem>>) dst(%dma_wait3A_17 : memref<2560x32xf32, #tpu.memory_space<hbm>>)
      tpu.yield
    }) : () -> ()
    return
  }
}

module attributes {stable_mosaic.version = 14 : i64} {
  func.func @_contract_body(%arg0: i32, %arg1: memref<10000x256xf32, #tpu.memory_space<vmem>>, %arg2: memref<256x32xf32, #tpu.memory_space<vmem>>, %arg3: memref<10000x32xf32, #tpu.memory_space<vmem>>) attributes {dimension_semantics = [#tpu.dimension_semantics<arbitrary>], iteration_bounds = array<i64: 10>, scalar_prefetch = 0 : i64, scratch_operands = 0 : i64, tpu.core_type = #tpu.core_type<tc>, window_params = [{transform_indices = @transform_0, window_bounds = array<i64: 10000, 256>}, {pipeline_mode = #tpu.pipeline_mode<synchronous>, transform_indices = @transform_1, window_bounds = array<i64: 256, 32>}, {transform_indices = @transform_2, window_bounds = array<i64: 10000, 32>}]} {
    %get3A = arith.constant 0 : index
    %get3A_0 = arith.constant 0 : index
    %get3A_1 = vector.load %arg1[%get3A, %get3A_0] : memref<10000x256xf32, #tpu.memory_space<vmem>>, vector<10000x256xf32>
    %get3A_2 = arith.constant 0 : index
    %get3A_3 = arith.constant 0 : index
    %get3A_4 = vector.load %arg2[%get3A_2, %get3A_3] : memref<256x32xf32, #tpu.memory_space<vmem>>, vector<256x32xf32>
    %dot_general3A = arith.constant dense<0.000000e+00> : vector<10000x32xf32>
    %dot_general3A_5 = tpu.matmul %get3A_1, %get3A_4, %dot_general3A {dimension_numbers = #tpu.dot_dimension_numbers<[1], [0], [0], [1], [0, 0, 1, 1], [], []>, transpose_lhs_hint = false} : vector<10000x256xf32>, vector<256x32xf32>, vector<10000x32xf32> -> vector<10000x32xf32>
    %swap3A = arith.constant 0 : index
    %swap3A_6 = arith.constant 0 : index
    %swap3A_7 = vector.load %arg3[%swap3A, %swap3A_6] : memref<10000x32xf32, #tpu.memory_space<vmem>>, vector<10000x32xf32>
    tpu.vector_store %arg3[%swap3A, %swap3A_6], %dot_general3A_5 {strides = array<i32>} : memref<10000x32xf32, #tpu.memory_space<vmem>>, vector<10000x32xf32>,
    return
  }
  func.func @transform_0(%arg0: i32) -> (i32, i32) {
    %c0_i32 = arith.constant 0 : i32
    %c0_i32_0 = arith.constant 0 : i32
    return %arg0, %c0_i32 : i32, i32
  }
  func.func @transform_1(%arg0: i32) -> (i32, i32) {
    %c0_i32 = arith.constant 0 : i32
    %c0_i32_0 = arith.constant 0 : i32
    %c0_i32_1 = arith.constant 0 : i32
    return %c0_i32, %c0_i32_0 : i32, i32
  }
  func.func @transform_2(%arg0: i32) -> (i32, i32) {
    %c0_i32 = arith.constant 0 : i32
    %c0_i32_0 = arith.constant 0 : i32
    return %arg0, %c0_i32 : i32, i32
  }
}

</mosaic_0001>

<sc_bundles>
// kernel: kernel.4.cloned.1.call-start
scs
__scs_entry_jumppad:
0x0: {  	(pc) =	sbr.rel $0x88, $3  }
0x1: {  	(tag) =	ssettag $0x0;
	lr =	simm.s32 $0x1  }
0x2: {  	[smem:$0x3F9E] =	sst lr;
	_ =	strace $0xD0000000  }
0x3: {  	_ = 	snop  }
0x4: {  	_ = 	snop  }
0x5: {  	_ = 	snop  }
0x6: {  	_ = 	snop  }
0x7: {  	_ = 	snop  }
__scs_overlays_trampoline_lowered:
0x8: {  	[smem:$0x3FAD] =	sst s0  }
0x9: {  	[smem:$0x3FAE] =	sst s1  }
0xa: {  	[smem:$0x3FAF] =	sst s2  }
0xb: {  	[smem:$0x3FB0] =	sst s3  }
0xc: {  	[smem:$0x3FB1] =	sst s4  }
0xd: {  	[smem:$0x3FB2] =	sst s5  }
0xe: {  	[smem:$0x3FB3] =	sst s6  }
0xf: {  	[smem:$0x3FB4] =	sst s7  }
0x10: {  	[smem:$0x3FB5] =	sst s8  }
0x11: {  	[smem:$0x3FB6] =	sst s9;
	s0 =	simm.s32 @!p0 $0x0  }
0x12: {  	s1 =	sld [smem:$0x3F9C];
	s0 =	simm.s32 @p0 $0x1  }
0x13: {  	[smem:$0x3FB7] =	sst s0;
	s0 =	simm.s32 @!p1 $0x0  }
0x14: {  	s2 =	sld [smem:$0x3F9B];
	s0 =	simm.s32 @p1 $0x1  }
0x15: {  	[smem:$0x3FB8] =	sst s0;
	s0 =	simm.s32 @!p2 $0x0  }
0x16: {  	s3 =	sld [smem:$0x3FDB];
	s0 =	simm.s32 @p2 $0x1  }
0x17: {  	s4 =	simm.s32 $0x1BF5;
	[smem:$0x3FBA] =	sst s0  }
0x18: {  	s0 =	sld [smem:$0x3F9D];
	_ =	swait.ge [sflag:s4], $0x0  }
0x19: {  	s7 =	sld [smem:$0x3F9E]  }
0x1a: {  	s8 =	sadd.s32 $0xFFFFE003, lr  }
0x1b: {  	s9 =	sadd.s32 $0xFFFFFEF7, lr;
	s5 =	simm.s32 $0xFFFFFFFF;
	p2 =	slt.u32 s8, $0xFFFFF086  }
0x1c: {  	p1 =	slt.u32 s9, $0xF7A;
	s5 =	simm.s32 @!p2 $0x0  }
0x1d: {  	s5 =	simm.s32 @p1 $0x1;
	p0 =	seq.s32 s7, s2  }
0x1e: {  	s7 =	smul.u32 @!p0 $0xF7A, s2;
	p2 =	seq.s32 @!p0 s5, $0x0  }
0x1f: {  	s9 =	smul.u32 $0xF7A, s1;
	s8 =	simm.s32 @!p0 $0x1BF5;
	p2 =	por !p2, p0  }
0x20: {  	[sflag:s8] =	ssyncset.s32 @!p0 $0xFFFFF086;
	s6 =	sadd.s32 @!p0 s3, s7;
	s7 =	simm.s32 @!p0 $0x108  }
0x21: {  	s3 =	sadd.s32 s3, s9;
	s6 =	sadd.s32 @!p0 $0x88, s6;
	s7 =	simm.s32 @p2 $0x1082  }
0x22: {  	[simem:s7], [sflag:s8] =	dma.local @!p0 [hbm:s6], $0xF7A  }
0x23: {  	s9 =	sor.u32 $0xD0000000, s2;
	s6 =	simm.s32 $0x108;
	_ =	swait.ge @!p0 [sflag:s8], $0x0  }
0x24: {  	s3 =	sadd.s32 $0x88, s3;
	s6 =	simm.s32 @!p1 $0x1082;
	[sflag:s4] =	ssyncset.s32 $0xFFFFF086  }
0x25: {  	[simem:s6], [sflag:s4] =	dma.local [hbm:s3], $0xF7A  }
0x26: {  	[smem:$0x3F9E] =	sst s1;
	(tag) =	ssettag s2;
	_ =	strace s9  }
0x27: {  	s1 =	sld [smem:$0x3FAE]  }
0x28: {  	s2 =	sld [smem:$0x3FAF]  }
0x29: {  	s4 =	sld [smem:$0x3FB1]  }
0x2a: {  	p0 =	seq.s32 s5, $0x0;
	s5 =	sld [smem:$0x3FB2]  }
0x2b: {  	s6 =	sld [smem:$0x3FB3]  }
0x2c: {  	s7 =	sld [smem:$0x3FB4]  }
0x2d: {  	s3 =	simm.s32 $0x108;
	s8 =	sld [smem:$0x3FB5]  }
0x2e: {  	s3 =	simm.s32 @!p0 $0x1082;
	s9 =	sld [smem:$0x3FB6]  }
0x2f: {  	lr =	sadd.s32 s0, s3;
	s0 =	sld [smem:$0x3FAD]  }
0x30: {  	s3 =	sld [smem:$0x3FB0]  }
0x31: {  	[smem:$0x3FB9] =	sst s10  }
0x32: {  	s10 =	sld [smem:$0x3FB7];
	_ =	sdelay $0x3  }
0x33: {  	p0 =	seq.s32 s10, $0x1;
	s10 =	sld [smem:$0x3FB9];
	_ =	sdelay $0x3  }
0x34: {  	[smem:$0x3FB9] =	sst s10  }
0x35: {  	s10 =	sld [smem:$0x3FB8];
	_ =	sdelay $0x3  }
0x36: {  	p1 =	seq.s32 s10, $0x1;
	s10 =	sld [smem:$0x3FB9];
	_ =	sdelay $0x3  }
0x37: {  	[smem:$0x3FB9] =	sst s10  }
0x38: {  	s10 =	sld [smem:$0x3FBA]  }
0x39: {  	_ = 	snop;
	(pc) =	sbr.ind lr, $3  }
0x3a: {  	_ = 	snop  }
0x3b: {  	_ = 	snop  }
0x3c: {  	p2 =	seq.s32 s10, $0x1;
	s10 =	sld [smem:$0x3FB9]  }
0x3d: {  	_ =	shalt  }
0x3e: {  	_ =	shalt  }
0x3f: {  	_ =	shalt  }
0x40: {  	_ =	shalt  }
0x41: {  	_ =	shalt  }
0x42: {  	_ =	shalt  }
0x43: {  	_ =	shalt  }
0x44: {  	_ =	shalt  }
0x45: {  	_ =	shalt  }
0x46: {  	_ =	shalt  }
0x47: {  	_ =	shalt  }
0x48: {  	_ =	shalt  }
0x49: {  	_ =	shalt  }
0x4a: {  	_ =	shalt  }
0x4b: {  	_ =	shalt  }
0x4c: {  	_ =	shalt  }
0x4d: {  	_ =	shalt  }
0x4e: {  	_ =	shalt  }
0x4f: {  	_ =	shalt  }
0x50: {  	_ =	shalt  }
0x51: {  	_ =	shalt  }
0x52: {  	_ =	shalt  }
0x53: {  	_ =	shalt  }
0x54: {  	_ =	shalt  }
0x55: {  	_ =	shalt  }
0x56: {  	_ =	shalt  }
0x57: {  	_ =	shalt  }
0x58: {  	_ =	shalt  }
0x59: {  	_ =	shalt  }
0x5a: {  	_ =	shalt  }
0x5b: {  	_ =	shalt  }
0x5c: {  	_ =	shalt  }
0x5d: {  	_ =	shalt  }
0x5e: {  	_ =	shalt  }
0x5f: {  	_ =	shalt  }
0x60: {  	_ =	shalt  }
0x61: {  	_ =	shalt  }
0x62: {  	_ =	shalt  }
0x63: {  	_ =	shalt  }
0x64: {  	_ =	shalt  }
0x65: {  	_ =	shalt  }
0x66: {  	_ =	shalt  }
0x67: {  	_ =	shalt  }
0x68: {  	_ =	shalt  }
0x69: {  	_ =	shalt  }
0x6a: {  	_ =	shalt  }
0x6b: {  	_ =	shalt  }
0x6c: {  	_ =	shalt  }
0x6d: {  	_ =	shalt  }
0x6e: {  	_ =	shalt  }
0x6f: {  	_ =	shalt  }
0x70: {  	_ =	shalt  }
0x71: {  	_ =	shalt  }
0x72: {  	_ =	shalt  }
0x73: {  	_ =	shalt  }
0x74: {  	_ =	shalt  }
0x75: {  	_ =	shalt  }
0x76: {  	_ =	shalt  }
0x77: {  	_ =	shalt  }
0x78: {  	_ =	shalt  }
0x79: {  	_ =	shalt  }
0x7a: {  	_ =	shalt  }
0x7b: {  	_ =	shalt  }
0x7c: {  	_ =	shalt  }
0x7d: {  	_ =	shalt  }
0x7e: {  	_ =	shalt  }
0x7f: {  	_ =	shalt  }
0x80: {  	_ =	shalt  }
0x81: {  	_ =	shalt  }
0x82: {  	_ =	shalt  }
0x83: {  	_ =	shalt  }
0x84: {  	_ =	shalt  }
0x85: {  	_ =	shalt  }
0x86: {  	_ =	shalt  }
0x87: {  	_ =	shalt  }
.Lfunc_end0:
.L_simem_size_0:
called_computation_lowered:
.L_overlay_start_0:
0x88: {  	s2 =	sld [smem:$0x3FD9]  }
0x89: {  	s3 =	sld [smem:$0x3FFE];
	_ =	sdelay $0x1  }
0x8a: {  	s1 =	srdreg.scid  }
0x8b: {  	s0 =	sand.u32 $0x1, s1  }
0x8c: {  	s17 =	sshll.u32 s0, $0xA;
	s2 =	sadd.s32 s3, s2  }
0x8d: {  	s2 =	sadd.s32 s2, s17  }
0x8e: {  	[smem:$0x3FC5] =	sst s2  }
0x8f: {  	_ = 	snop  }
0x90: {  	s2 =	sld [smem:$0x3FD0];
	(tm) =	ssettm $0x1  }
0x91: {  	s18 =	sld [smem:$0x3FFB];
	_ =	sdelay $0x3  }
0x92: {  	_ =	strace s18  }
0x93: {  	s3 =	sld [smem:$0x3FFC];
	_ =	sdelay $0x3  }
0x94: {  	_ =	strace s3  }
0x95: {  	s3 =	sld [smem:$0x3FFD];
	_ =	sdelay $0x3  }
0x96: {  	_ =	strace s3  }
0x97: {  	_ =	strace $0x8FFFFFFF  }
0x98: {  	s19 =	sld [smem:$0x3FDB];
	_ =	sdelay $0x1  }
0x99: {  	s4 =	simm.s32 $_scs_section_size  }
0x9a: {  	s5 =	simm.s32 $_size__tile_overlayer_lowered;
	s6 =	simm.s32 $_tile_overlayer_lowered  }
0x9b: {  	s22 =	simm.s32 $0x1BFF;
	s21 =	sshll.u32 s6, $0x1;
	s3 =	sadd.s32 s4, s19  }
0x9c: {  	s7 =	simm.s32 $0x0;
	s20 =	sshll.u32 s5, $0x1;
	s5 =	sadd.s32 s21, s3  }
0x9d: {  	[timem:s7], [sflag:s22] =	dma.local [hbm:s5], s20  }
0x9e: {  	_ =	swait.ge [sflag:s22], s20  }
0x9f: {  	s4 =	ssub.s32 $0x0, s20;
	[sflag:s22] =	ssyncset.done $0x0  }
0xa0: {  	[sflag:s22] =	ssyncadd.s32 s4;
	_ =	sdelay $0x1  }
0xa1: {  	s23 =	simm.s32 $0x1B8B  }
0xa2: {  	_ =	swait.ge [sflag:s23], $0x1  }
0xa3: {  	[sflag:s23] =	ssyncset.done $0x0  }
0xa4: {  	s25 =	simm.s32 $0x1B8E;
	s24 =	sld [smem:$0x3FFE];
	[sflag:s23] =	ssyncadd.s32 $0xFFFFFFFF  }
0xa5: {  	s26 =	simm.s32 $execute0_lowered;
	[smem:$0x3FD2] =	sst s25  }
0xa6: {  	s5 =	sshll.u32 s26, $0x1;
	_ =	strace $0x80000046;
	[dreg:$0x1] =	wrdreg $0xFFFFFFFF  }
0xa7: {  	s28 =	simm.s32 $_size_execute0_lowered;
	s3 =	sadd.s32 s3, s5;
	[dreg:$0x0] =	wrdreg $0x0  }
0xa8: {  	s5 =	sshll.u32 s28, $0x1;
	[dreg:$0x2] =	wrdreg s3  }
0xa9: {  	[dreg:$0x3] =	wrdreg s5  }
0xaa: {  	[dreg:$0x4] =	wrdreg $0xC0  }
0xab: {  	_ =	task [dreg:s7], $0x5FFFF  }
0xac: {  	[dreg:$0x1] =	wrdreg $0xFFFFFFFF  }
0xad: {  	[dreg:$0x0] =	wrdreg $0x60  }
0xae: {  	[dreg:$0x2] =	wrdreg s24  }
0xaf: {  	[dreg:$0x3] =	wrdreg s2  }
0xb0: {  	[dreg:$0x4] =	wrdreg $0x9  }
0xb1: {  	_ =	task.clear_ibuf [dreg:s7], $0x5FFFF;
	_ =	strace $0x90000046  }
0xb2: {  	s29 =	simm.s32 $0x9;
	_ =	strace $0x80000048  }
0xb3: {  	_ =	swait.ge [sflag:s29], $0x1  }
0xb4: {  	[sflag:s29] =	ssyncadd.s32 $0xFFFFFFFF  }
0xb5: {  	_ =	strace $0x90000048  }
0xb6: {  	_ =	sfence  }
0xb7: {  	s30 =	sld [smem:$0x0];
	_ =	sdelay $0x2  }
0xb8: {  	s31 =	sshll.u32 s1, $0xD;
	s1 =	sshrl.u32 s1, $0x2  }
0xb9: {  	s3 =	sand.u32 $0x4000, s31;
	s1 =	sadd.s32 s1, s30  }
0xba: {  	s0 =	sor.u32 s3, s0;
	s1 =	sshll.u32 s1, $0x11  }
0xbb: {  	s0 =	sor.u32 s1, s0  }
0xbc: {  	s0 =	sadd.s32 $0x8F2B, s0  }
0xbd: {  	[sflag:s0] =	ssyncadd.remote.s32 $0x1  }
0xbe: {  	_ =	sfence.sel $0xFFFF  }
0xbf: {  	[dreg:$0x0] =	wrdreg $0xFFFFFFFF;
	(pc) =	sbr.abs _section_cstart, $3  }
0xc0: {  	[dreg:$0x1] =	wrdreg $0xFFFFFFFF  }
0xc1: {  	_ =	task.clear_ibuf [dreg:s7], $0x2FFFF;
	_ =	strace $0x9FFFFFFF  }
0xc2: {  	(tm) =	ssettm $0x7FFFFFFF  }
0xc3: {  	_ =	shalt  }
tec
execute0_lowered:
.L_overlay_start_1:
0x0: {  	(tag) =	ssettag $0x1  }
0x1: {  	s1 =	srdreg.scid;
	s0 =	stileid.u32  }
0x2: {  	s4 =	rddreg [dreg:$0x0];
	s1 =	sand.u32 $0x1, s1;
	s2 =	sshll.u32 s0, $0x1  }
0x3: {  	s5 =	rddreg [dreg:$0x1];
	s3 =	sor.u32 s1, s2;
	s2 =	simm.s32 $0x0  }
0x4: {  	s7 =	simm.s32 $0x2A00;
	[smem:$0x7FF] =	sst s2  }
0x5: {  	s8 =	simm.s32 $0x180;
	_ =	strace $0x80000047;
	[dreg:$0x7] =	wrdreg s7  }
0x6: {  	s9 =	simm.s32 $0x3A00;
	[dreg:$0x8] =	wrdreg s8  }
0x7: {  	s10 =	simm.s32 $0x200;
	[dreg:$0x9] =	wrdreg s9  }
0x8: {  	s11 =	simm.s32 $0x4A00;
	[dreg:$0xa] =	wrdreg s10  }
0x9: {  	s12 =	simm.s32 $0x280;
	[dreg:$0xb] =	wrdreg s11  }
0xa: {  	s13 =	simm.s32 $0x5A00;
	[dreg:$0xc] =	wrdreg s12  }
0xb: {  	s14 =	simm.s32 $0x300;
	[dreg:$0xd] =	wrdreg s13  }
0xc: {  	s15 =	simm.s32 $0x6A00;
	[dreg:$0xe] =	wrdreg s14  }
0xd: {  	s16 =	simm.s32 $0x380;
	s6 =	smul.u32 $0x140, s3;
	[dreg:$0xf] =	wrdreg s15  }
0xe: {  	s17 =	simm.s32 $0x7A00;
	s3 =	smul.u32 $0x2800, s3;
	[dreg:$0x10] =	wrdreg s16  }
0xf: {  	s19 =	simm.s32 $0x400;
	[dreg:$0x11] =	wrdreg s17  }
0x10: {  	[dreg:$0x12] =	wrdreg s19;
	s3 =	sadd.s32 s5, s3  }
0x11: {  	s6 =	sadd.s32 s6, s4;
	s5 =	simm.s32 $0x1A00;
	[dreg:$0x4] =	wrdreg s3  }
0x12: {  	s6 =	sadd.s32 $0x62400, s6;
	[dreg:$0x5] =	wrdreg s5  }
0x13: {  	[dreg:$0x3] =	wrdreg s6;
	s6 =	simm.s32 $0x100  }
0x14: {  	[dreg:$0x6] =	wrdreg s6  }
0x15: {  	s3 =	simm.s32 $0x2;
	s18 =	rddreg [dreg:$0x3]  }
0x16: {  	[tilespmem:s2], [sflag:$0x2] =	stream.linear.gather [hbm4b:s18+s2], $0xA00, $0x38;
	[tilespmem:$0x14A00] =	vst v63  }
0x17: {  	_ =	swait.ge [sflag:s3], $0xA00  }
0x18: {  	s7 =	rddreg [dreg:$0x11]  }
0x19: {  	s8 =	rddreg [dreg:$0xf]  }
0x1a: {  	s9 =	rddreg [dreg:$0xd]  }
0x1b: {  	s4 =	sadd.s32 $0x800, s4;
	s10 =	rddreg [dreg:$0xb]  }
0x1c: {  	s5 =	simm.s32 $0xA00;
	s11 =	rddreg [dreg:$0x6];
	[sflag:s3] =	ssyncset.done $0x0  }
0x1d: {  	s6 =	simm.s32 $0x80;
	s12 =	rddreg [dreg:$0x5];
	[sflag:s3] =	ssyncadd.s32 $0xFFFFF600  }
0x1e: {  	[tilespmem:s5], [sflag:$0x1] =	stream.indirect.gather [hbm4b:s4+s6], $0x20, s2, s6, $0xb8;
	[tilespmem:$0x14A00] =	vst v63  }
0x1f: {  	s13 =	rddreg [dreg:$0x7]  }
0x20: {  	[tilespmem:s12], [sflag:$0x1] =	stream.indirect.gather [hbm4b:s4+s6], $0x20, s6, s6, $0xb8;
	[tilespmem:$0x14A00] =	vst v63  }
0x21: {  	s14 =	rddreg [dreg:$0x9]  }
0x22: {  	[tilespmem:s13], [sflag:$0x1] =	stream.indirect.gather [hbm4b:s4+s6], $0x20, s11, s6, $0xb8;
	[tilespmem:$0x14A00] =	vst v63  }
0x23: {  	s20 =	rddreg [dreg:$0x8]  }
0x24: {  	[tilespmem:s14], [sflag:$0x1] =	stream.indirect.gather [hbm4b:s4+s6], $0x20, s20, s6, $0xb8;
	[tilespmem:$0x14A00] =	vst v63  }
0x25: {  	s21 =	rddreg [dreg:$0xa]  }
0x26: {  	[tilespmem:s10], [sflag:$0x1] =	stream.indirect.gather [hbm4b:s4+s6], $0x20, s21, s6, $0xb8;
	[tilespmem:$0x14A00] =	vst v63  }
0x27: {  	s22 =	rddreg [dreg:$0xc]  }
0x28: {  	[tilespmem:s9], [sflag:$0x1] =	stream.indirect.gather [hbm4b:s4+s6], $0x20, s22, s6, $0xb8;
	[tilespmem:$0x14A00] =	vst v63  }
0x29: {  	s23 =	rddreg [dreg:$0xe]  }
0x2a: {  	[tilespmem:s8], [sflag:$0x1] =	stream.indirect.gather [hbm4b:s4+s6], $0x20, s23, s6, $0xb8;
	[tilespmem:$0x14A00] =	vst v63  }
0x2b: {  	s24 =	rddreg [dreg:$0x10]  }
0x2c: {  	[tilespmem:s7], [sflag:$0x1] =	stream.indirect.gather [hbm4b:s4+s6], $0x20, s24, s6, $0xb8;
	[tilespmem:$0x14A00] =	vst v63  }
0x2d: {  	s26 =	simm.s32 $0x8A00;
	s25 =	rddreg [dreg:$0x12]  }
0x2e: {  	[tilespmem:s26], [sflag:$0x1] =	stream.indirect.gather [hbm4b:s4+s6], $0x20, s25, s6, $0xb8;
	[tilespmem:$0x14A00] =	vst v63  }
0x2f: {  	s8 =	simm.s32 $0x9A00;
	s7 =	simm.s32 $0x480  }
0x30: {  	[tilespmem:s8], [sflag:$0x1] =	stream.indirect.gather [hbm4b:s4+s6], $0x20, s7, s6, $0xb8;
	[tilespmem:$0x14A00] =	vst v63  }
0x31: {  	s10 =	simm.s32 $0xAA00;
	s9 =	simm.s32 $0x500  }
0x32: {  	[tilespmem:s10], [sflag:$0x1] =	stream.indirect.gather [hbm4b:s4+s6], $0x20, s9, s6, $0xb8;
	[tilespmem:$0x14A00] =	vst v63  }
0x33: {  	s12 =	simm.s32 $0xBA00;
	s11 =	simm.s32 $0x580  }
0x34: {  	[tilespmem:s12], [sflag:$0x1] =	stream.indirect.gather [hbm4b:s4+s6], $0x20, s11, s6, $0xb8;
	[tilespmem:$0x14A00] =	vst v63  }
0x35: {  	s15 =	simm.s32 $0xCA00;
	s14 =	simm.s32 $0x600  }
0x36: {  	[tilespmem:s15], [sflag:$0x1] =	stream.indirect.gather [hbm4b:s4+s6], $0x20, s14, s6, $0xb8;
	[tilespmem:$0x14A00] =	vst v63  }
0x37: {  	s16 =	simm.s32 $0x680;
	s17 =	simm.s32 $0xDA00  }
0x38: {  	[tilespmem:s17], [sflag:$0x1] =	stream.indirect.gather [hbm4b:s4+s6], $0x20, s16, s6, $0xb8;
	[tilespmem:$0x14A00] =	vst v63  }
0x39: {  	s19 =	simm.s32 $0xEA00;
	s18 =	simm.s32 $0x700  }
0x3a: {  	[tilespmem:s19], [sflag:$0x1] =	stream.indirect.gather [hbm4b:s4+s6], $0x20, s18, s6, $0xb8;
	[tilespmem:$0x14A00] =	vst v63  }
0x3b: {  	s20 =	simm.s32 $0x780;
	s21 =	simm.s32 $0xFA00  }
0x3c: {  	[tilespmem:s21], [sflag:$0x1] =	stream.indirect.gather [hbm4b:s4+s6], $0x20, s20, s6, $0xb8;
	[tilespmem:$0x14A00] =	vst v63  }
0x3d: {  	s22 =	simm.s32 $0x800;
	s23 =	simm.s32 $0x10A00  }
0x3e: {  	[tilespmem:s23], [sflag:$0x1] =	stream.indirect.gather [hbm4b:s4+s6], $0x20, s22, s6, $0xb8;
	[tilespmem:$0x14A00] =	vst v63  }
0x3f: {  	s24 =	simm.s32 $0x880;
	s25 =	simm.s32 $0x11A00  }
0x40: {  	[tilespmem:s25], [sflag:$0x1] =	stream.indirect.gather [hbm4b:s4+s6], $0x20, s24, s6, $0xb8;
	[tilespmem:$0x14A00] =	vst v63  }
0x41: {  	s28 =	simm.s32 $0x12A00;
	s26 =	simm.s32 $0x900  }
0x42: {  	[tilespmem:s28], [sflag:$0x1] =	stream.indirect.gather [hbm4b:s4+s6], $0x20, s26, s6, $0xb8;
	[tilespmem:$0x14A00] =	vst v63  }
0x43: {  	s30 =	simm.s32 $0x980;
	s31 =	simm.s32 $0x13A00;
	s29 =	simm.s32 $0x1  }
0x44: {  	[tilespmem:s31], [sflag:$0x1] =	stream.indirect.gather [hbm4b:s4+s6], $0x20, s30, s6, $0xb8;
	[tilespmem:$0x14A00] =	vst v63  }
0x45: {  	_ =	swait.ge [sflag:s29], $0x1000  }
0x46: {  	[sflag:s29] =	ssyncset.done $0x0  }
0x47: {  	[sflag:s29] =	ssyncadd.s32 $0xFFFFF000  }
0x48: {  	_ =	swait.ge [sflag:s29], $0x1000  }
0x49: {  	[sflag:s29] =	ssyncset.done $0x0  }
0x4a: {  	[sflag:s29] =	ssyncadd.s32 $0xFFFFF000  }
0x4b: {  	_ =	swait.ge [sflag:s29], $0x1000  }
0x4c: {  	[sflag:s29] =	ssyncset.done $0x0  }
0x4d: {  	[sflag:s29] =	ssyncadd.s32 $0xFFFFF000  }
0x4e: {  	_ =	swait.ge [sflag:s29], $0x1000  }
0x4f: {  	[sflag:s29] =	ssyncset.done $0x0  }
0x50: {  	[sflag:s29] =	ssyncadd.s32 $0xFFFFF000  }
0x51: {  	_ =	swait.ge [sflag:s29], $0x1000  }
0x52: {  	[sflag:s29] =	ssyncset.done $0x0  }
0x53: {  	[sflag:s29] =	ssyncadd.s32 $0xFFFFF000  }
0x54: {  	_ =	swait.ge [sflag:s29], $0x1000  }
0x55: {  	[sflag:s29] =	ssyncset.done $0x0  }
0x56: {  	[sflag:s29] =	ssyncadd.s32 $0xFFFFF000  }
0x57: {  	_ =	swait.ge [sflag:s29], $0x1000  }
0x58: {  	[sflag:s29] =	ssyncset.done $0x0  }
0x59: {  	[sflag:s29] =	ssyncadd.s32 $0xFFFFF000  }
0x5a: {  	_ =	swait.ge [sflag:s29], $0x1000  }
0x5b: {  	[sflag:s29] =	ssyncset.done $0x0  }
0x5c: {  	[sflag:s29] =	ssyncadd.s32 $0xFFFFF000  }
0x5d: {  	_ =	swait.ge [sflag:s29], $0x1000  }
0x5e: {  	[sflag:s29] =	ssyncset.done $0x0  }
0x5f: {  	[sflag:s29] =	ssyncadd.s32 $0xFFFFF000  }
0x60: {  	_ =	swait.ge [sflag:s29], $0x1000  }
0x61: {  	[sflag:s29] =	ssyncset.done $0x0  }
0x62: {  	[sflag:s29] =	ssyncadd.s32 $0xFFFFF000  }
0x63: {  	_ =	swait.ge [sflag:s29], $0x1000  }
0x64: {  	[sflag:s29] =	ssyncset.done $0x0  }
0x65: {  	[sflag:s29] =	ssyncadd.s32 $0xFFFFF000  }
0x66: {  	_ =	swait.ge [sflag:s29], $0x1000  }
0x67: {  	[sflag:s29] =	ssyncset.done $0x0  }
0x68: {  	[sflag:s29] =	ssyncadd.s32 $0xFFFFF000  }
0x69: {  	_ =	swait.ge [sflag:s29], $0x1000  }
0x6a: {  	[sflag:s29] =	ssyncset.done $0x0  }
0x6b: {  	[sflag:s29] =	ssyncadd.s32 $0xFFFFF000  }
0x6c: {  	_ =	swait.ge [sflag:s29], $0x1000  }
0x6d: {  	[sflag:s29] =	ssyncset.done $0x0  }
0x6e: {  	[sflag:s29] =	ssyncadd.s32 $0xFFFFF000  }
0x6f: {  	_ =	swait.ge [sflag:s29], $0x1000  }
0x70: {  	[sflag:s29] =	ssyncset.done $0x0  }
0x71: {  	[sflag:s29] =	ssyncadd.s32 $0xFFFFF000  }
0x72: {  	_ =	swait.ge [sflag:s29], $0x1000  }
0x73: {  	[sflag:s29] =	ssyncset.done $0x0  }
0x74: {  	[sflag:s29] =	ssyncadd.s32 $0xFFFFF000  }
0x75: {  	s1 =	ssub.s32 $0x2, s1;
	_ =	swait.ge [sflag:s29], $0x1000  }
0x76: {  	s13 =	sshrl.u32 s1, $0x1;
	[sflag:s29] =	ssyncset.done $0x0  }
0x77: {  	s0 =	ssub.s32 s1, s13;
	[sflag:s29] =	ssyncadd.s32 $0xFFFFF000  }
0x78: {  	s0 =	smax.u32 s0, $0x1;
	_ =	swait.ge [sflag:s29], $0x1000  }
0x79: {  	p0 =	sne.s32 s0, $0x1;
	[sflag:s29] =	ssyncset.done $0x0  }
.Ltmp0:
0x7a: {  	[sflag:s29] =	ssyncadd.s32 $0xFFFFF000;
	(pc) =	sbr.rel @!p0 .LBB2_2-.Ltmp0, $4  }
0x7b: {  	_ =	swait.ge [sflag:s29], $0x1000  }
0x7c: {  	[sflag:s29] =	ssyncset.done $0x0  }
0x7d: {  	[sflag:s29] =	ssyncadd.s32 $0xFFFFF000  }
0x7e: {  	s1 =	sadd.s32 $0xFFFFFFFF, s0;
	_ =	swait.ge [sflag:s29], $0x1000  }
.LBB2_1:
0x7f: {  	[sflag:s29] =	ssyncset.done $0x0  }
0x80: {  	s0 =	rddreg [dreg:$0x4];
	[sflag:s29] =	ssyncadd.s32 $0xFFFFF000  }
0x81: {  	[hbm4b:s0+s2] =	stream.linear.scatter [tilespmem:s5], [sflag:$0x2], $0x14000, $0x38;
	[tilespmem:$0x14A00] =	vst v63  }
0x82: {  	_ =	swait.ge [sflag:s3], $0x14000  }
0x83: {  	[sflag:s3] =	ssyncset.done $0x0  }
0x84: {  	s11 =	rddreg [dreg:$0x3];
	[sflag:s3] =	ssyncadd.s32 $0xFFFEC000  }
0x85: {  	[tilespmem:s2], [sflag:$0x2] =	stream.linear.gather [hbm4b:s11+s2], $0xA00, $0x38;
	[tilespmem:$0x14A00] =	vst v63  }
0x86: {  	_ =	swait.ge [sflag:s3], $0xA00  }
0x87: {  	s0 =	rddreg [dreg:$0x11]  }
0x88: {  	s7 =	rddreg [dreg:$0xf]  }
0x89: {  	s8 =	rddreg [dreg:$0xd]  }
0x8a: {  	s9 =	rddreg [dreg:$0xb]  }
0x8b: {  	s10 =	rddreg [dreg:$0x6];
	[sflag:s3] =	ssyncset.done $0x0  }
0x8c: {  	s11 =	rddreg [dreg:$0x5];
	[sflag:s3] =	ssyncadd.s32 $0xFFFFF600  }
0x8d: {  	[tilespmem:s5], [sflag:$0x1] =	stream.indirect.gather [hbm4b:s4+s6], $0x20, s2, s6, $0xb8;
	[tilespmem:$0x14A00] =	vst v63  }
0x8e: {  	s12 =	rddreg [dreg:$0x7]  }
0x8f: {  	[tilespmem:s11], [sflag:$0x1] =	stream.indirect.gather [hbm4b:s4+s6], $0x20, s6, s6, $0xb8;
	[tilespmem:$0x14A00] =	vst v63  }
0x90: {  	s13 =	rddreg [dreg:$0x9]  }
0x91: {  	[tilespmem:s12], [sflag:$0x1] =	stream.indirect.gather [hbm4b:s4+s6], $0x20, s10, s6, $0xb8;
	[tilespmem:$0x14A00] =	vst v63  }
0x92: {  	s11 =	rddreg [dreg:$0x8]  }
0x93: {  	[tilespmem:s13], [sflag:$0x1] =	stream.indirect.gather [hbm4b:s4+s6], $0x20, s11, s6, $0xb8;
	[tilespmem:$0x14A00] =	vst v63  }
0x94: {  	s12 =	rddreg [dreg:$0xa]  }
0x95: {  	[tilespmem:s9], [sflag:$0x1] =	stream.indirect.gather [hbm4b:s4+s6], $0x20, s12, s6, $0xb8;
	[tilespmem:$0x14A00] =	vst v63  }
0x96: {  	s13 =	rddreg [dreg:$0xc]  }
0x97: {  	[tilespmem:s8], [sflag:$0x1] =	stream.indirect.gather [hbm4b:s4+s6], $0x20, s13, s6, $0xb8;
	[tilespmem:$0x14A00] =	vst v63  }
0x98: {  	s10 =	rddreg [dreg:$0xe]  }
0x99: {  	[tilespmem:s7], [sflag:$0x1] =	stream.indirect.gather [hbm4b:s4+s6], $0x20, s10, s6, $0xb8;
	[tilespmem:$0x14A00] =	vst v63  }
0x9a: {  	s11 =	rddreg [dreg:$0x10]  }
0x9b: {  	[tilespmem:s0], [sflag:$0x1] =	stream.indirect.gather [hbm4b:s4+s6], $0x20, s11, s6, $0xb8;
	[tilespmem:$0x14A00] =	vst v63  }
0x9c: {  	s12 =	rddreg [dreg:$0x12];
	s13 =	simm.s32 $0x8A00  }
0x9d: {  	[tilespmem:s13], [sflag:$0x1] =	stream.indirect.gather [hbm4b:s4+s6], $0x20, s12, s6, $0xb8;
	[tilespmem:$0x14A00] =	vst v63  }
0x9e: {  	s9 =	simm.s32 $0x9A00;
	s8 =	simm.s32 $0x480  }
0x9f: {  	[tilespmem:s9], [sflag:$0x1] =	stream.indirect.gather [hbm4b:s4+s6], $0x20, s8, s6, $0xb8;
	[tilespmem:$0x14A00] =	vst v63  }
0xa0: {  	s10 =	simm.s32 $0x500;
	s11 =	simm.s32 $0xAA00  }
0xa1: {  	[tilespmem:s11], [sflag:$0x1] =	stream.indirect.gather [hbm4b:s4+s6], $0x20, s10, s6, $0xb8;
	[tilespmem:$0x14A00] =	vst v63  }
0xa2: {  	s12 =	simm.s32 $0x580;
	s13 =	simm.s32 $0xBA00  }
0xa3: {  	[tilespmem:s13], [sflag:$0x1] =	stream.indirect.gather [hbm4b:s4+s6], $0x20, s12, s6, $0xb8;
	[tilespmem:$0x14A00] =	vst v63  }
0xa4: {  	_ = 	snop  }
0xa5: {  	[tilespmem:s15], [sflag:$0x1] =	stream.indirect.gather [hbm4b:s4+s6], $0x20, s14, s6, $0xb8;
	[tilespmem:$0x14A00] =	vst v63  }
0xa6: {  	_ = 	snop  }
0xa7: {  	[tilespmem:s17], [sflag:$0x1] =	stream.indirect.gather [hbm4b:s4+s6], $0x20, s16, s6, $0xb8;
	[tilespmem:$0x14A00] =	vst v63  }
0xa8: {  	_ = 	snop  }
0xa9: {  	[tilespmem:s19], [sflag:$0x1] =	stream.indirect.gather [hbm4b:s4+s6], $0x20, s18, s6, $0xb8;
	[tilespmem:$0x14A00] =	vst v63  }
0xaa: {  	_ = 	snop  }
0xab: {  	[tilespmem:s21], [sflag:$0x1] =	stream.indirect.gather [hbm4b:s4+s6], $0x20, s20, s6, $0xb8;
	[tilespmem:$0x14A00] =	vst v63  }
0xac: {  	_ = 	snop  }
0xad: {  	[tilespmem:s23], [sflag:$0x1] =	stream.indirect.gather [hbm4b:s4+s6], $0x20, s22, s6, $0xb8;
	[tilespmem:$0x14A00] =	vst v63  }
0xae: {  	_ = 	snop  }
0xaf: {  	[tilespmem:s25], [sflag:$0x1] =	stream.indirect.gather [hbm4b:s4+s6], $0x20, s24, s6, $0xb8;
	[tilespmem:$0x14A00] =	vst v63  }
0xb0: {  	_ = 	snop  }
0xb1: {  	[tilespmem:s28], [sflag:$0x1] =	stream.indirect.gather [hbm4b:s4+s6], $0x20, s26, s6, $0xb8;
	[tilespmem:$0x14A00] =	vst v63  }
0xb2: {  	_ = 	snop  }
0xb3: {  	[tilespmem:s31], [sflag:$0x1] =	stream.indirect.gather [hbm4b:s4+s6], $0x20, s30, s6, $0xb8;
	[tilespmem:$0x14A00] =	vst v63  }
0xb4: {  	_ =	swait.ge [sflag:s29], $0x1000  }
0xb5: {  	[sflag:s29] =	ssyncset.done $0x0  }
0xb6: {  	[sflag:s29] =	ssyncadd.s32 $0xFFFFF000  }
0xb7: {  	_ =	swait.ge [sflag:s29], $0x1000  }
0xb8: {  	[sflag:s29] =	ssyncset.done $0x0  }
0xb9: {  	[sflag:s29] =	ssyncadd.s32 $0xFFFFF000  }
0xba: {  	_ =	swait.ge [sflag:s29], $0x1000  }
0xbb: {  	[sflag:s29] =	ssyncset.done $0x0  }
0xbc: {  	[sflag:s29] =	ssyncadd.s32 $0xFFFFF000  }
0xbd: {  	_ =	swait.ge [sflag:s29], $0x1000  }
0xbe: {  	[sflag:s29] =	ssyncset.done $0x0  }
0xbf: {  	[sflag:s29] =	ssyncadd.s32 $0xFFFFF000  }
0xc0: {  	_ =	swait.ge [sflag:s29], $0x1000  }
0xc1: {  	[sflag:s29] =	ssyncset.done $0x0  }
0xc2: {  	[sflag:s29] =	ssyncadd.s32 $0xFFFFF000  }
0xc3: {  	_ =	swait.ge [sflag:s29], $0x1000  }
0xc4: {  	[sflag:s29] =	ssyncset.done $0x0  }
0xc5: {  	[sflag:s29] =	ssyncadd.s32 $0xFFFFF000  }
0xc6: {  	_ =	swait.ge [sflag:s29], $0x1000  }
0xc7: {  	[sflag:s29] =	ssyncset.done $0x0  }
0xc8: {  	[sflag:s29] =	ssyncadd.s32 $0xFFFFF000  }
0xc9: {  	_ =	swait.ge [sflag:s29], $0x1000  }
0xca: {  	[sflag:s29] =	ssyncset.done $0x0  }
0xcb: {  	[sflag:s29] =	ssyncadd.s32 $0xFFFFF000  }
0xcc: {  	_ =	swait.ge [sflag:s29], $0x1000  }
0xcd: {  	[sflag:s29] =	ssyncset.done $0x0  }
0xce: {  	[sflag:s29] =	ssyncadd.s32 $0xFFFFF000  }
0xcf: {  	_ =	swait.ge [sflag:s29], $0x1000  }
0xd0: {  	[sflag:s29] =	ssyncset.done $0x0  }
0xd1: {  	[sflag:s29] =	ssyncadd.s32 $0xFFFFF000  }
0xd2: {  	_ =	swait.ge [sflag:s29], $0x1000  }
0xd3: {  	[sflag:s29] =	ssyncset.done $0x0  }
0xd4: {  	[sflag:s29] =	ssyncadd.s32 $0xFFFFF000  }
0xd5: {  	_ =	swait.ge [sflag:s29], $0x1000  }
0xd6: {  	[sflag:s29] =	ssyncset.done $0x0  }
0xd7: {  	[sflag:s29] =	ssyncadd.s32 $0xFFFFF000  }
0xd8: {  	_ =	swait.ge [sflag:s29], $0x1000  }
0xd9: {  	[sflag:s29] =	ssyncset.done $0x0  }
0xda: {  	[sflag:s29] =	ssyncadd.s32 $0xFFFFF000  }
0xdb: {  	_ =	swait.ge [sflag:s29], $0x1000  }
0xdc: {  	[sflag:s29] =	ssyncset.done $0x0  }
0xdd: {  	[sflag:s29] =	ssyncadd.s32 $0xFFFFF000  }
0xde: {  	_ =	swait.ge [sflag:s29], $0x1000  }
0xdf: {  	[sflag:s29] =	ssyncset.done $0x0  }
0xe0: {  	[sflag:s29] =	ssyncadd.s32 $0xFFFFF000  }
0xe1: {  	_ =	swait.ge [sflag:s29], $0x1000  }
0xe2: {  	[sflag:s29] =	ssyncset.done $0x0  }
0xe3: {  	[sflag:s29] =	ssyncadd.s32 $0xFFFFF000  }
0xe4: {  	_ =	swait.ge [sflag:s29], $0x1000  }
0xe5: {  	[sflag:s29] =	ssyncset.done $0x0  }
0xe6: {  	[sflag:s29] =	ssyncadd.s32 $0xFFFFF000  }
0xe7: {  	_ =	swait.ge [sflag:s29], $0x1000  }
0xe8: {  	p0 =	sne.s32 s1, $0x1;
	[sflag:s29] =	ssyncset.done $0x0  }
.Ltmp1:
0xe9: {  	[sflag:s29] =	ssyncadd.s32 $0xFFFFF000;
	(pc) =	sbr.rel @p0 .LBB2_1-.Ltmp1, $4  }
0xea: {  	_ =	swait.ge [sflag:s29], $0x1000  }
0xeb: {  	[sflag:s29] =	ssyncset.done $0x0  }
0xec: {  	[sflag:s29] =	ssyncadd.s32 $0xFFFFF000  }
0xed: {  	s1 =	sadd.s32 $0xFFFFFFFF, s1;
	_ =	swait.ge [sflag:s29], $0x1000  }
.LBB2_2:
0xee: {  	[sflag:s29] =	ssyncset.done $0x0  }
0xef: {  	s0 =	rddreg [dreg:$0x4];
	[sflag:s29] =	ssyncadd.s32 $0xFFFFF000  }
0xf0: {  	[hbm4b:s0+s2] =	stream.linear.scatter [tilespmem:s5], [sflag:$0x2], $0x14000, $0x38;
	[tilespmem:$0x14A00] =	vst v63  }
0xf1: {  	_ =	swait.ge [sflag:s3], $0x14000  }
0xf2: {  	[sflag:s3] =	ssyncset.done $0x0  }
0xf3: {  	[sflag:s3] =	ssyncadd.s32 $0xFFFEC000  }
0xf4: {  	_ =	sfence.sel $0x180000  }
0xf5: {  	[bflag:$0x0] =	sbarrier.arrive $0xFFFF  }
0xf6: {  	_ =	strace $0x90000047  }
0xf7: {  	s31 =	stileid.u32;
	[bflag:$0x2] =	sbarrier.arrive $0xFFFF  }
0xf8: {  	p0 =	sne.s32 s31, $0x0;
	s0 =	rddreg [dreg:$0x2]  }
0xf9: {  	s0 =	sadd.s32 @!p0 $0x100000, s0  }
0xfa: {  	[sflag:s0] =	ssyncadd.tile.s32 @!p0 $0x1;
	_ =	shalt  }
.Lfunc_end2:
_tile_overlayer_lowered:
.L_overlay_start_2:
0xfb: {  	(tag) =	ssettag $0x2  }
0xfc: {  	s0 =	rddreg [dreg:$0x0];
	s2 =	stileid.u32  }
0xfd: {  	s1 =	rddreg [dreg:$0x1];
	p0 =	sne.s32 s2, $0x0  }
0xfe: {  	s3 =	rddreg [dreg:$0x2];
	[bflag:$0x3] =	sbarrier.arrive $0xFFFF;
	s2 =	simm.s32 @!p0 $0x1C02  }
0xff: {  	[timem:s3], [sflag:s2] =	dma.local @!p0 [hbm:s0], s1  }
0x100: {  	s0 =	simm.s32 @!p0 $0x2  }
0x101: {  	_ =	swait.ge @!p0 [sflag:s0], s1  }
0x102: {  	s1 =	ssub.s32 @!p0 $0x0, s1;
	[sflag:s0] =	ssyncset.done @!p0 $0x0  }
0x103: {  	[sflag:s0] =	ssyncadd.s32 @!p0 s1  }
0x104: {  	[bflag:$0x3] =	sbarrier.arrive $0xFFFF  }
0x105: {  	_ =	shalt  }

</sc_bundles>
